<compile_context>
chip_gen: v7x
topology: tpu7x:2x2x1
jax: 0.10.2.dev20260603
libtpu: 0.0.44.dev20260713+nightly
codegen_flags: <defaults>
</compile_context>

<pallas_src>
import functools

import jax
import jax.numpy as jnp
from jax import lax
from jax.experimental import pallas as pl
from jax.experimental.pallas import tpu as pltpu
from jax.experimental.pallas import tpu_sc as plsc

_D = 128
_CH = 128
_NBUF = 5


def _sc_gather(codebooks, idx3d):
    info = plsc.get_sparse_core_info()
    nc, ns = info.num_cores, info.num_subcores
    nw = nc * ns
    chunks_per_w = idx3d.shape[1]
    rows_per_w = chunks_per_w * _CH
    assert chunks_per_w % _NBUF == 0

    mesh = plsc.VectorSubcoreMesh(core_axis_name="c", subcore_axis_name="s")

    @functools.partial(
        pl.kernel,
        mesh=mesh,
        out_type=jax.ShapeDtypeStruct((nw * rows_per_w, _D), jnp.float32),
        scratch_types=(
            [pltpu.VMEM((chunks_per_w, _CH), jnp.int32)]
            + [pltpu.VMEM((_CH, _D), jnp.float32) for _ in range(_NBUF)]
            + [pltpu.SemaphoreType.DMA for _ in range(2 * _NBUF)]
        ),
    )
    def k(table_hbm, idx_hbm, out_hbm, idx_v, *bufs_sems):
        bufs = bufs_sems[:_NBUF]
        gsems = bufs_sems[_NBUF:2 * _NBUF]
        ssems = bufs_sems[2 * _NBUF:]
        wid = lax.axis_index("s") * nc + lax.axis_index("c")
        pltpu.sync_copy(idx_hbm.at[wid], idx_v)
        base = wid * rows_per_w

        def gather(c, b):
            pltpu.async_copy(table_hbm.at[idx_v.at[c]], bufs[b], gsems[b])

        def wait_gather(c, b):
            pltpu.make_async_copy(table_hbm.at[idx_v.at[c]], bufs[b],
                                  gsems[b]).wait()

        def store(c, b):
            pltpu.async_copy(bufs[b], out_hbm.at[pl.ds(base + c * _CH, _CH)],
                             ssems[b])

        def wait_store(c, b):
            pltpu.make_async_copy(bufs[b],
                                  out_hbm.at[pl.ds(base + c * _CH, _CH)],
                                  ssems[b]).wait()

        for b in range(_NBUF):
            gather(b, b)

        def body(i, carry):
            c0 = i * _NBUF
            for b in range(_NBUF):
                wait_gather(c0 + b, b)
                store(c0 + b, b)
            for b in range(_NBUF):
                wait_store(c0 + b, b)
                gather(c0 + _NBUF + b, b)
            return carry

        lax.fori_loop(0, chunks_per_w // _NBUF - 1, body, 0)

        cl = chunks_per_w - _NBUF
        for b in range(_NBUF):
            wait_gather(cl + b, b)
            store(cl + b, b)
        for b in range(_NBUF):
            wait_store(cl + b, b)

    return k(codebooks, idx3d)


def kernel(features, codebooks):
    B, L = features.shape[0], features.shape[1]
    idx_key = jax.random.key(42)
    indices = jax.random.randint(idx_key, (B, L), 0, codebooks.shape[0],
                                 dtype=jnp.int32)
    info = plsc.get_sparse_core_info()
    nw = info.num_cores * info.num_subcores
    idx3d = indices.T.reshape(nw, -1, _CH)
    out = _sc_gather(codebooks, idx3d)
    return (out.reshape(L, B, _D).transpose(1, 0, 2), indices)

# --- scband reference (transcript-rebuilt; emitter-appended) ---
"""Pipeline reference for scband-quantizer-1657857376427 (READ-ONLY COPY).

The authoritative reference and input builder live on the scoring server;
editing this copy changes nothing except your own understanding.
"""

import jax, jax.numpy as jnp
import numpy as np

NUM_CODEBOOKS = 8
NUM_CODES = 8192
FEATURE_DIM = 128
NUM_EMBEDDINGS = NUM_CODEBOOKS * NUM_CODES
BATCH = 4096
SEQ = 50


def setup_inputs(seed: int = 0) -> dict:
    key = jax.random.key(seed)
    k1, k2 = jax.random.split(key)
    features = jax.random.normal(k1, (BATCH, SEQ, FEATURE_DIM), dtype=jnp.float32)
    # learned parameter: nn.Embedding(num_codebooks * num_codes, feature_dim).weight
    codebooks = jax.random.normal(k2, (NUM_EMBEDDINGS, FEATURE_DIM), dtype=jnp.float32) * 0.02
    return {"features": features, "codebooks": codebooks}


def reference(features, codebooks):
    # torch.randint(0, num_embeddings, (B, L)) -> deterministic jax equivalent with fixed key
    B, L = features.shape[0], features.shape[1]
    idx_key = jax.random.key(42)
    indices = jax.random.randint(idx_key, (B, L), 0, codebooks.shape[0], dtype=jnp.int32)
    # embedding lookup: gather rows of the codebook table
    quantized_features = jnp.take(codebooks, indices, axis=0)
    return (quantized_features, indices)

if __name__ == "__main__":
    import jax
    _d = setup_inputs()
    print(jax.jit(kernel)(*tuple(_d.values())))

</pallas_src>

<mosaic_0001>
#map = affine_map<(d0, d1) -> (0, 0)>
#map1 = affine_map<(d0, d1) -> (0, 0, 0)>
module attributes {stable_mosaic.version = 14 : i64} {
  func.func @k(%arg0: i32, %arg1: i32, %arg2: memref<65536x128xf32, #tpu.memory_space<hbm>>, %arg3: memref<32x50x128xi32, #tpu.memory_space<hbm>>, %arg4: memref<204800x128xf32, #tpu.memory_space<hbm>>, %arg5: memref<50x128xi32, #tpu.memory_space<vmem>>, %arg6: memref<128x128xf32, #tpu.memory_space<vmem>>, %arg7: memref<128x128xf32, #tpu.memory_space<vmem>>, %arg8: memref<128x128xf32, #tpu.memory_space<vmem>>, %arg9: memref<128x128xf32, #tpu.memory_space<vmem>>, %arg10: memref<128x128xf32, #tpu.memory_space<vmem>>, %arg11: memref<!tpu.dma_semaphore, #tpu.memory_space<semaphore_mem>>, %arg12: memref<!tpu.dma_semaphore, #tpu.memory_space<semaphore_mem>>, %arg13: memref<!tpu.dma_semaphore, #tpu.memory_space<semaphore_mem>>, %arg14: memref<!tpu.dma_semaphore, #tpu.memory_space<semaphore_mem>>, %arg15: memref<!tpu.dma_semaphore, #tpu.memory_space<semaphore_mem>>, %arg16: memref<!tpu.dma_semaphore, #tpu.memory_space<semaphore_mem>>, %arg17: memref<!tpu.dma_semaphore, #tpu.memory_space<semaphore_mem>>, %arg18: memref<!tpu.dma_semaphore, #tpu.memory_space<semaphore_mem>>, %arg19: memref<!tpu.dma_semaphore, #tpu.memory_space<semaphore_mem>>, %arg20: memref<!tpu.dma_semaphore, #tpu.memory_space<semaphore_mem>>) attributes {dimension_semantics = [#tpu.dimension_semantics<core_parallel>, #tpu.dimension_semantics<subcore_parallel>], iteration_bounds = array<i64: 2, 16>, scalar_prefetch = 0 : i64, scratch_operands = 16 : i64, tpu.core_type = #tpu.core_type<sc_vector_subcore>, window_params = [{transform_indices = #map}, {transform_indices = #map1}, {transform_indices = #map}]} {
    %mul3A = arith.constant 2 : i32
    %mul3A_0 = arith.muli %arg1, %mul3A : i32
    %add3A = arith.addi %mul3A_0, %arg0 : i32
    "tpu.region"() ({
      %run_scoped3A = tpu.sem_alloc : memref<!tpu.dma_semaphore, #tpu.memory_space<semaphore_mem>>
      %dma_start3A_136 = arith.constant 0 : i32
      %dma_start3A_137 = arith.constant 0 : i32
      %dma_start3A_138 = tpu.memref_slice %arg3[%add3A, %dma_start3A_136, %dma_start3A_137] : memref<32x50x128xi32, #tpu.memory_space<hbm>> -> memref<1x50x128xi32, #tpu.memory_space<hbm>>
      %dma_start3A_139 = tpu.memref_squeeze %dma_start3A_138 : memref<1x50x128xi32, #tpu.memory_space<hbm>> -> memref<50x128xi32, #tpu.memory_space<hbm>>
      %dma_start3A_140 = arith.constant 0 : i32
      %dma_start3A_141 = arith.constant 0 : i32
      %dma_start3A_142 = tpu.memref_slice %arg3[%add3A, %dma_start3A_140, %dma_start3A_141] : memref<32x50x128xi32, #tpu.memory_space<hbm>> -> memref<1x50x128xi32, #tpu.memory_space<hbm>>
      %dma_start3A_143 = tpu.memref_squeeze %dma_start3A_142 : memref<1x50x128xi32, #tpu.memory_space<hbm>> -> memref<50x128xi32, #tpu.memory_space<hbm>>
      tpu.enqueue_dma source(%dma_start3A_143 : memref<50x128xi32, #tpu.memory_space<hbm>>) target(%arg5 : memref<50x128xi32, #tpu.memory_space<vmem>>) target_semaphore(%run_scoped3A : memref<!tpu.dma_semaphore, #tpu.memory_space<semaphore_mem>>)
      %dma_wait3A_144 = arith.constant 0 : i32
      %dma_wait3A_145 = arith.constant 0 : i32
      %dma_wait3A_146 = tpu.memref_slice %arg3[%add3A, %dma_wait3A_144, %dma_wait3A_145] : memref<32x50x128xi32, #tpu.memory_space<hbm>> -> memref<1x50x128xi32, #tpu.memory_space<hbm>>
      %dma_wait3A_147 = tpu.memref_squeeze %dma_wait3A_146 : memref<1x50x128xi32, #tpu.memory_space<hbm>> -> memref<50x128xi32, #tpu.memory_space<hbm>>
      %dma_wait3A_148 = arith.constant 0 : i32
      %dma_wait3A_149 = arith.constant 0 : i32
      %dma_wait3A_150 = tpu.memref_slice %arg3[%add3A, %dma_wait3A_148, %dma_wait3A_149] : memref<32x50x128xi32, #tpu.memory_space<hbm>> -> memref<1x50x128xi32, #tpu.memory_space<hbm>>
      %dma_wait3A_151 = tpu.memref_squeeze %dma_wait3A_150 : memref<1x50x128xi32, #tpu.memory_space<hbm>> -> memref<50x128xi32, #tpu.memory_space<hbm>>
      tpu.wait_dma2 semaphore(%run_scoped3A : memref<!tpu.dma_semaphore, #tpu.memory_space<semaphore_mem>>) src(%dma_wait3A_151 : memref<50x128xi32, #tpu.memory_space<hbm>>) dst(%arg5 : memref<50x128xi32, #tpu.memory_space<vmem>>)
      tpu.yield
    }) : () -> ()
    %mul3A_1 = arith.constant 6400 : i32
    %mul3A_2 = arith.muli %add3A, %mul3A_1 : i32
    %dma_start3A = arith.constant 0 : i32
    %dma_start3A_3 = arith.constant 0 : i32
    %dma_start3A_4 = tpu.memref_slice %arg5[%dma_start3A, %dma_start3A_3] : memref<50x128xi32, #tpu.memory_space<vmem>> -> memref<1x128xi32, #tpu.memory_space<vmem>>
    %dma_start3A_5 = tpu.memref_squeeze %dma_start3A_4 : memref<1x128xi32, #tpu.memory_space<vmem>> -> memref<128xi32, #tpu.memory_space<vmem>>
    %dma_start3A_6 = arith.constant 0 : i32
    %dma_start3A_7 = arith.constant 0 : i32
    %dma_start3A_8 = tpu.memref_slice %arg2[%dma_start3A_6, %dma_start3A_7] : memref<65536x128xf32, #tpu.memory_space<hbm>> -> memref<65536x128xf32, #tpu.memory_space<hbm>>
    tpu.enqueue_indirect_dma source(%dma_start3A_8 : memref<65536x128xf32, #tpu.memory_space<hbm>>) target(%arg6 : memref<128x128xf32, #tpu.memory_space<vmem>>) offsets(%dma_start3A_5 : memref<128xi32, #tpu.memory_space<vmem>>) semaphore(%arg11 : memref<!tpu.dma_semaphore, #tpu.memory_space<semaphore_mem>>)
    %dma_start3A_9 = arith.constant 1 : i32
    %dma_start3A_10 = arith.constant 0 : i32
    %dma_start3A_11 = tpu.memref_slice %arg5[%dma_start3A_9, %dma_start3A_10] : memref<50x128xi32, #tpu.memory_space<vmem>> -> memref<1x128xi32, #tpu.memory_space<vmem>>
    %dma_start3A_12 = tpu.memref_squeeze %dma_start3A_11 : memref<1x128xi32, #tpu.memory_space<vmem>> -> memref<128xi32, #tpu.memory_space<vmem>>
    %dma_start3A_13 = arith.constant 0 : i32
    %dma_start3A_14 = arith.constant 0 : i32
    %dma_start3A_15 = tpu.memref_slice %arg2[%dma_start3A_13, %dma_start3A_14] : memref<65536x128xf32, #tpu.memory_space<hbm>> -> memref<65536x128xf32, #tpu.memory_space<hbm>>
    tpu.enqueue_indirect_dma source(%dma_start3A_15 : memref<65536x128xf32, #tpu.memory_space<hbm>>) target(%arg7 : memref<128x128xf32, #tpu.memory_space<vmem>>) offsets(%dma_start3A_12 : memref<128xi32, #tpu.memory_space<vmem>>) semaphore(%arg12 : memref<!tpu.dma_semaphore, #tpu.memory_space<semaphore_mem>>)
    %dma_start3A_16 = arith.constant 2 : i32
    %dma_start3A_17 = arith.constant 0 : i32
    %dma_start3A_18 = tpu.memref_slice %arg5[%dma_start3A_16, %dma_start3A_17] : memref<50x128xi32, #tpu.memory_space<vmem>> -> memref<1x128xi32, #tpu.memory_space<vmem>>
    %dma_start3A_19 = tpu.memref_squeeze %dma_start3A_18 : memref<1x128xi32, #tpu.memory_space<vmem>> -> memref<128xi32, #tpu.memory_space<vmem>>
    %dma_start3A_20 = arith.constant 0 : i32
    %dma_start3A_21 = arith.constant 0 : i32
    %dma_start3A_22 = tpu.memref_slice %arg2[%dma_start3A_20, %dma_start3A_21] : memref<65536x128xf32, #tpu.memory_space<hbm>> -> memref<65536x128xf32, #tpu.memory_space<hbm>>
    tpu.enqueue_indirect_dma source(%dma_start3A_22 : memref<65536x128xf32, #tpu.memory_space<hbm>>) target(%arg8 : memref<128x128xf32, #tpu.memory_space<vmem>>) offsets(%dma_start3A_19 : memref<128xi32, #tpu.memory_space<vmem>>) semaphore(%arg13 : memref<!tpu.dma_semaphore, #tpu.memory_space<semaphore_mem>>)
    %dma_start3A_23 = arith.constant 3 : i32
    %dma_start3A_24 = arith.constant 0 : i32
    %dma_start3A_25 = tpu.memref_slice %arg5[%dma_start3A_23, %dma_start3A_24] : memref<50x128xi32, #tpu.memory_space<vmem>> -> memref<1x128xi32, #tpu.memory_space<vmem>>
    %dma_start3A_26 = tpu.memref_squeeze %dma_start3A_25 : memref<1x128xi32, #tpu.memory_space<vmem>> -> memref<128xi32, #tpu.memory_space<vmem>>
    %dma_start3A_27 = arith.constant 0 : i32
    %dma_start3A_28 = arith.constant 0 : i32
    %dma_start3A_29 = tpu.memref_slice %arg2[%dma_start3A_27, %dma_start3A_28] : memref<65536x128xf32, #tpu.memory_space<hbm>> -> memref<65536x128xf32, #tpu.memory_space<hbm>>
    tpu.enqueue_indirect_dma source(%dma_start3A_29 : memref<65536x128xf32, #tpu.memory_space<hbm>>) target(%arg9 : memref<128x128xf32, #tpu.memory_space<vmem>>) offsets(%dma_start3A_26 : memref<128xi32, #tpu.memory_space<vmem>>) semaphore(%arg14 : memref<!tpu.dma_semaphore, #tpu.memory_space<semaphore_mem>>)
    %dma_start3A_30 = arith.constant 4 : i32
    %dma_start3A_31 = arith.constant 0 : i32
    %dma_start3A_32 = tpu.memref_slice %arg5[%dma_start3A_30, %dma_start3A_31] : memref<50x128xi32, #tpu.memory_space<vmem>> -> memref<1x128xi32, #tpu.memory_space<vmem>>
    %dma_start3A_33 = tpu.memref_squeeze %dma_start3A_32 : memref<1x128xi32, #tpu.memory_space<vmem>> -> memref<128xi32, #tpu.memory_space<vmem>>
    %dma_start3A_34 = arith.constant 0 : i32
    %dma_start3A_35 = arith.constant 0 : i32
    %dma_start3A_36 = tpu.memref_slice %arg2[%dma_start3A_34, %dma_start3A_35] : memref<65536x128xf32, #tpu.memory_space<hbm>> -> memref<65536x128xf32, #tpu.memory_space<hbm>>
    tpu.enqueue_indirect_dma source(%dma_start3A_36 : memref<65536x128xf32, #tpu.memory_space<hbm>>) target(%arg10 : memref<128x128xf32, #tpu.memory_space<vmem>>) offsets(%dma_start3A_33 : memref<128xi32, #tpu.memory_space<vmem>>) semaphore(%arg15 : memref<!tpu.dma_semaphore, #tpu.memory_space<semaphore_mem>>)
    %scan3A = arith.constant 0 : i32
    %scan3A_37 = arith.constant 0 : i32
    %scan3A_38 = arith.constant 9 : i32
    %scan3A_39 = arith.addi %scan3A_37, %scan3A_38 : i32
    %scan3A_40 = arith.constant 1 : i32
    scf.for %scan3A_136 = %scan3A_37 to %scan3A_39 step %scan3A_40  : i32 {
      %mul3A_137 = arith.constant 5 : i32
      %mul3A_138 = arith.muli %scan3A_136, %mul3A_137 : i32
      %add3A_139 = arith.constant 0 : i32
      %add3A_140 = arith.addi %mul3A_138, %add3A_139 : i32
      %dma_wait3A_141 = arith.constant 0 : i32
      %dma_wait3A_142 = tpu.memref_slice %arg5[%add3A_140, %dma_wait3A_141] : memref<50x128xi32, #tpu.memory_space<vmem>> -> memref<1x128xi32, #tpu.memory_space<vmem>>
      %dma_wait3A_143 = tpu.memref_squeeze %dma_wait3A_142 : memref<1x128xi32, #tpu.memory_space<vmem>> -> memref<128xi32, #tpu.memory_space<vmem>>
      %dma_wait3A_144 = arith.constant 0 : i32
      %dma_wait3A_145 = arith.constant 0 : i32
      %dma_wait3A_146 = tpu.memref_slice %arg2[%dma_wait3A_144, %dma_wait3A_145] : memref<65536x128xf32, #tpu.memory_space<hbm>> -> memref<65536x128xf32, #tpu.memory_space<hbm>>
      tpu.wait_indirect_dma semaphore(%arg11 : memref<!tpu.dma_semaphore, #tpu.memory_space<semaphore_mem>>) src(%dma_wait3A_146 : memref<65536x128xf32, #tpu.memory_space<hbm>>) dst(%arg6 : memref<128x128xf32, #tpu.memory_space<vmem>>)
      %add3A_147 = arith.constant 0 : i32
      %add3A_148 = arith.addi %mul3A_138, %add3A_147 : i32
      %mul3A_149 = arith.constant 128 : i32
      %mul3A_150 = arith.muli %add3A_148, %mul3A_149 : i32
      %add3A_151 = arith.addi %mul3A_2, %mul3A_150 : i32
      %dma_start3A_152 = arith.constant 0 : i32
      %dma_start3A_153 = tpu.memref_slice %arg4[%add3A_151, %dma_start3A_152] : memref<204800x128xf32, #tpu.memory_space<hbm>> -> memref<128x128xf32, #tpu.memory_space<hbm>>
      %dma_start3A_154 = arith.constant 0 : i32
      %dma_start3A_155 = tpu.memref_slice %arg4[%add3A_151, %dma_start3A_154] : memref<204800x128xf32, #tpu.memory_space<hbm>> -> memref<128x128xf32, #tpu.memory_space<hbm>>
      tpu.enqueue_dma source(%arg6 : memref<128x128xf32, #tpu.memory_space<vmem>>) target(%dma_start3A_155 : memref<128x128xf32, #tpu.memory_space<hbm>>) target_semaphore(%arg16 : memref<!tpu.dma_semaphore, #tpu.memory_space<semaphore_mem>>)
      %add3A_156 = arith.constant 1 : i32
      %add3A_157 = arith.addi %mul3A_138, %add3A_156 : i32
      %dma_wait3A_158 = arith.constant 0 : i32
      %dma_wait3A_159 = tpu.memref_slice %arg5[%add3A_157, %dma_wait3A_158] : memref<50x128xi32, #tpu.memory_space<vmem>> -> memref<1x128xi32, #tpu.memory_space<vmem>>
      %dma_wait3A_160 = tpu.memref_squeeze %dma_wait3A_159 : memref<1x128xi32, #tpu.memory_space<vmem>> -> memref<128xi32, #tpu.memory_space<vmem>>
      %dma_wait3A_161 = arith.constant 0 : i32
      %dma_wait3A_162 = arith.constant 0 : i32
      %dma_wait3A_163 = tpu.memref_slice %arg2[%dma_wait3A_161, %dma_wait3A_162] : memref<65536x128xf32, #tpu.memory_space<hbm>> -> memref<65536x128xf32, #tpu.memory_space<hbm>>
      tpu.wait_indirect_dma semaphore(%arg12 : memref<!tpu.dma_semaphore, #tpu.memory_space<semaphore_mem>>) src(%dma_wait3A_163 : memref<65536x128xf32, #tpu.memory_space<hbm>>) dst(%arg7 : memref<128x128xf32, #tpu.memory_space<vmem>>)
      %add3A_164 = arith.constant 1 : i32
      %add3A_165 = arith.addi %mul3A_138, %add3A_164 : i32
      %mul3A_166 = arith.constant 128 : i32
      %mul3A_167 = arith.muli %add3A_165, %mul3A_166 : i32
      %add3A_168 = arith.addi %mul3A_2, %mul3A_167 : i32
      %dma_start3A_169 = arith.constant 0 : i32
      %dma_start3A_170 = tpu.memref_slice %arg4[%add3A_168, %dma_start3A_169] : memref<204800x128xf32, #tpu.memory_space<hbm>> -> memref<128x128xf32, #tpu.memory_space<hbm>>
      %dma_start3A_171 = arith.constant 0 : i32
      %dma_start3A_172 = tpu.memref_slice %arg4[%add3A_168, %dma_start3A_171] : memref<204800x128xf32, #tpu.memory_space<hbm>> -> memref<128x128xf32, #tpu.memory_space<hbm>>
      tpu.enqueue_dma source(%arg7 : memref<128x128xf32, #tpu.memory_space<vmem>>) target(%dma_start3A_172 : memref<128x128xf32, #tpu.memory_space<hbm>>) target_semaphore(%arg17 : memref<!tpu.dma_semaphore, #tpu.memory_space<semaphore_mem>>)
      %add3A_173 = arith.constant 2 : i32
      %add3A_174 = arith.addi %mul3A_138, %add3A_173 : i32
      %dma_wait3A_175 = arith.constant 0 : i32
      %dma_wait3A_176 = tpu.memref_slice %arg5[%add3A_174, %dma_wait3A_175] : memref<50x128xi32, #tpu.memory_space<vmem>> -> memref<1x128xi32, #tpu.memory_space<vmem>>
      %dma_wait3A_177 = tpu.memref_squeeze %dma_wait3A_176 : memref<1x128xi32, #tpu.memory_space<vmem>> -> memref<128xi32, #tpu.memory_space<vmem>>
      %dma_wait3A_178 = arith.constant 0 : i32
      %dma_wait3A_179 = arith.constant 0 : i32
      %dma_wait3A_180 = tpu.memref_slice %arg2[%dma_wait3A_178, %dma_wait3A_179] : memref<65536x128xf32, #tpu.memory_space<hbm>> -> memref<65536x128xf32, #tpu.memory_space<hbm>>
      tpu.wait_indirect_dma semaphore(%arg13 : memref<!tpu.dma_semaphore, #tpu.memory_space<semaphore_mem>>) src(%dma_wait3A_180 : memref<65536x128xf32, #tpu.memory_space<hbm>>) dst(%arg8 : memref<128x128xf32, #tpu.memory_space<vmem>>)
      %add3A_181 = arith.constant 2 : i32
      %add3A_182 = arith.addi %mul3A_138, %add3A_181 : i32
      %mul3A_183 = arith.constant 128 : i32
      %mul3A_184 = arith.muli %add3A_182, %mul3A_183 : i32
      %add3A_185 = arith.addi %mul3A_2, %mul3A_184 : i32
      %dma_start3A_186 = arith.constant 0 : i32
      %dma_start3A_187 = tpu.memref_slice %arg4[%add3A_185, %dma_start3A_186] : memref<204800x128xf32, #tpu.memory_space<hbm>> -> memref<128x128xf32, #tpu.memory_space<hbm>>
      %dma_start3A_188 = arith.constant 0 : i32
      %dma_start3A_189 = tpu.memref_slice %arg4[%add3A_185, %dma_start3A_188] : memref<204800x128xf32, #tpu.memory_space<hbm>> -> memref<128x128xf32, #tpu.memory_space<hbm>>
      tpu.enqueue_dma source(%arg8 : memref<128x128xf32, #tpu.memory_space<vmem>>) target(%dma_start3A_189 : memref<128x128xf32, #tpu.memory_space<hbm>>) target_semaphore(%arg18 : memref<!tpu.dma_semaphore, #tpu.memory_space<semaphore_mem>>)
      %add3A_190 = arith.constant 3 : i32
      %add3A_191 = arith.addi %mul3A_138, %add3A_190 : i32
      %dma_wait3A_192 = arith.constant 0 : i32
      %dma_wait3A_193 = tpu.memref_slice %arg5[%add3A_191, %dma_wait3A_192] : memref<50x128xi32, #tpu.memory_space<vmem>> -> memref<1x128xi32, #tpu.memory_space<vmem>>
      %dma_wait3A_194 = tpu.memref_squeeze %dma_wait3A_193 : memref<1x128xi32, #tpu.memory_space<vmem>> -> memref<128xi32, #tpu.memory_space<vmem>>
      %dma_wait3A_195 = arith.constant 0 : i32
      %dma_wait3A_196 = arith.constant 0 : i32
      %dma_wait3A_197 = tpu.memref_slice %arg2[%dma_wait3A_195, %dma_wait3A_196] : memref<65536x128xf32, #tpu.memory_space<hbm>> -> memref<65536x128xf32, #tpu.memory_space<hbm>>
      tpu.wait_indirect_dma semaphore(%arg14 : memref<!tpu.dma_semaphore, #tpu.memory_space<semaphore_mem>>) src(%dma_wait3A_197 : memref<65536x128xf32, #tpu.memory_space<hbm>>) dst(%arg9 : memref<128x128xf32, #tpu.memory_space<vmem>>)
      %add3A_198 = arith.constant 3 : i32
      %add3A_199 = arith.addi %mul3A_138, %add3A_198 : i32
      %mul3A_200 = arith.constant 128 : i32
      %mul3A_201 = arith.muli %add3A_199, %mul3A_200 : i32
      %add3A_202 = arith.addi %mul3A_2, %mul3A_201 : i32
      %dma_start3A_203 = arith.constant 0 : i32
      %dma_start3A_204 = tpu.memref_slice %arg4[%add3A_202, %dma_start3A_203] : memref<204800x128xf32, #tpu.memory_space<hbm>> -> memref<128x128xf32, #tpu.memory_space<hbm>>
      %dma_start3A_205 = arith.constant 0 : i32
      %dma_start3A_206 = tpu.memref_slice %arg4[%add3A_202, %dma_start3A_205] : memref<204800x128xf32, #tpu.memory_space<hbm>> -> memref<128x128xf32, #tpu.memory_space<hbm>>
      tpu.enqueue_dma source(%arg9 : memref<128x128xf32, #tpu.memory_space<vmem>>) target(%dma_start3A_206 : memref<128x128xf32, #tpu.memory_space<hbm>>) target_semaphore(%arg19 : memref<!tpu.dma_semaphore, #tpu.memory_space<semaphore_mem>>)
      %add3A_207 = arith.constant 4 : i32
      %add3A_208 = arith.addi %mul3A_138, %add3A_207 : i32
      %dma_wait3A_209 = arith.constant 0 : i32
      %dma_wait3A_210 = tpu.memref_slice %arg5[%add3A_208, %dma_wait3A_209] : memref<50x128xi32, #tpu.memory_space<vmem>> -> memref<1x128xi32, #tpu.memory_space<vmem>>
      %dma_wait3A_211 = tpu.memref_squeeze %dma_wait3A_210 : memref<1x128xi32, #tpu.memory_space<vmem>> -> memref<128xi32, #tpu.memory_space<vmem>>
      %dma_wait3A_212 = arith.constant 0 : i32
      %dma_wait3A_213 = arith.constant 0 : i32
      %dma_wait3A_214 = tpu.memref_slice %arg2[%dma_wait3A_212, %dma_wait3A_213] : memref<65536x128xf32, #tpu.memory_space<hbm>> -> memref<65536x128xf32, #tpu.memory_space<hbm>>
      tpu.wait_indirect_dma semaphore(%arg15 : memref<!tpu.dma_semaphore, #tpu.memory_space<semaphore_mem>>) src(%dma_wait3A_214 : memref<65536x128xf32, #tpu.memory_space<hbm>>) dst(%arg10 : memref<128x128xf32, #tpu.memory_space<vmem>>)
      %add3A_215 = arith.constant 4 : i32
      %add3A_216 = arith.addi %mul3A_138, %add3A_215 : i32
      %mul3A_217 = arith.constant 128 : i32
      %mul3A_218 = arith.muli %add3A_216, %mul3A_217 : i32
      %add3A_219 = arith.addi %mul3A_2, %mul3A_218 : i32
      %dma_start3A_220 = arith.constant 0 : i32
      %dma_start3A_221 = tpu.memref_slice %arg4[%add3A_219, %dma_start3A_220] : memref<204800x128xf32, #tpu.memory_space<hbm>> -> memref<128x128xf32, #tpu.memory_space<hbm>>
      %dma_start3A_222 = arith.constant 0 : i32
      %dma_start3A_223 = tpu.memref_slice %arg4[%add3A_219, %dma_start3A_222] : memref<204800x128xf32, #tpu.memory_space<hbm>> -> memref<128x128xf32, #tpu.memory_space<hbm>>
      tpu.enqueue_dma source(%arg10 : memref<128x128xf32, #tpu.memory_space<vmem>>) target(%dma_start3A_223 : memref<128x128xf32, #tpu.memory_space<hbm>>) target_semaphore(%arg20 : memref<!tpu.dma_semaphore, #tpu.memory_space<semaphore_mem>>)
      %add3A_224 = arith.constant 0 : i32
      %add3A_225 = arith.addi %mul3A_138, %add3A_224 : i32
      %mul3A_226 = arith.constant 128 : i32
      %mul3A_227 = arith.muli %add3A_225, %mul3A_226 : i32
      %add3A_228 = arith.addi %mul3A_2, %mul3A_227 : i32
      %dma_wait3A_229 = arith.constant 0 : i32
      %dma_wait3A_230 = tpu.memref_slice %arg4[%add3A_228, %dma_wait3A_229] : memref<204800x128xf32, #tpu.memory_space<hbm>> -> memref<128x128xf32, #tpu.memory_space<hbm>>
      %dma_wait3A_231 = arith.constant 0 : i32
      %dma_wait3A_232 = tpu.memref_slice %arg4[%add3A_228, %dma_wait3A_231] : memref<204800x128xf32, #tpu.memory_space<hbm>> -> memref<128x128xf32, #tpu.memory_space<hbm>>
      tpu.wait_dma2 semaphore(%arg16 : memref<!tpu.dma_semaphore, #tpu.memory_space<semaphore_mem>>) src(%arg6 : memref<128x128xf32, #tpu.memory_space<vmem>>) dst(%dma_wait3A_232 : memref<128x128xf32, #tpu.memory_space<hbm>>)
      %add3A_233 = arith.constant 5 : i32
      %add3A_234 = arith.addi %mul3A_138, %add3A_233 : i32
      %add3A_235 = arith.constant 0 : i32
      %add3A_236 = arith.addi %add3A_234, %add3A_235 : i32
      %dma_start3A_237 = arith.constant 0 : i32
      %dma_start3A_238 = tpu.memref_slice %arg5[%add3A_236, %dma_start3A_237] : memref<50x128xi32, #tpu.memory_space<vmem>> -> memref<1x128xi32, #tpu.memory_space<vmem>>
      %dma_start3A_239 = tpu.memref_squeeze %dma_start3A_238 : memref<1x128xi32, #tpu.memory_space<vmem>> -> memref<128xi32, #tpu.memory_space<vmem>>
      %dma_start3A_240 = arith.constant 0 : i32
      %dma_start3A_241 = arith.constant 0 : i32
      %dma_start3A_242 = tpu.memref_slice %arg2[%dma_start3A_240, %dma_start3A_241] : memref<65536x128xf32, #tpu.memory_space<hbm>> -> memref<65536x128xf32, #tpu.memory_space<hbm>>
      tpu.enqueue_indirect_dma source(%dma_start3A_242 : memref<65536x128xf32, #tpu.memory_space<hbm>>) target(%arg6 : memref<128x128xf32, #tpu.memory_space<vmem>>) offsets(%dma_start3A_239 : memref<128xi32, #tpu.memory_space<vmem>>) semaphore(%arg11 : memref<!tpu.dma_semaphore, #tpu.memory_space<semaphore_mem>>)
      %add3A_243 = arith.constant 1 : i32
      %add3A_244 = arith.addi %mul3A_138, %add3A_243 : i32
      %mul3A_245 = arith.constant 128 : i32
      %mul3A_246 = arith.muli %add3A_244, %mul3A_245 : i32
      %add3A_247 = arith.addi %mul3A_2, %mul3A_246 : i32
      %dma_wait3A_248 = arith.constant 0 : i32
      %dma_wait3A_249 = tpu.memref_slice %arg4[%add3A_247, %dma_wait3A_248] : memref<204800x128xf32, #tpu.memory_space<hbm>> -> memref<128x128xf32, #tpu.memory_space<hbm>>
      %dma_wait3A_250 = arith.constant 0 : i32
      %dma_wait3A_251 = tpu.memref_slice %arg4[%add3A_247, %dma_wait3A_250] : memref<204800x128xf32, #tpu.memory_space<hbm>> -> memref<128x128xf32, #tpu.memory_space<hbm>>
      tpu.wait_dma2 semaphore(%arg17 : memref<!tpu.dma_semaphore, #tpu.memory_space<semaphore_mem>>) src(%arg7 : memref<128x128xf32, #tpu.memory_space<vmem>>) dst(%dma_wait3A_251 : memref<128x128xf32, #tpu.memory_space<hbm>>)
      %add3A_252 = arith.constant 5 : i32
      %add3A_253 = arith.addi %mul3A_138, %add3A_252 : i32
      %add3A_254 = arith.constant 1 : i32
      %add3A_255 = arith.addi %add3A_253, %add3A_254 : i32
      %dma_start3A_256 = arith.constant 0 : i32
      %dma_start3A_257 = tpu.memref_slice %arg5[%add3A_255, %dma_start3A_256] : memref<50x128xi32, #tpu.memory_space<vmem>> -> memref<1x128xi32, #tpu.memory_space<vmem>>
      %dma_start3A_258 = tpu.memref_squeeze %dma_start3A_257 : memref<1x128xi32, #tpu.memory_space<vmem>> -> memref<128xi32, #tpu.memory_space<vmem>>
      %dma_start3A_259 = arith.constant 0 : i32
      %dma_start3A_260 = arith.constant 0 : i32
      %dma_start3A_261 = tpu.memref_slice %arg2[%dma_start3A_259, %dma_start3A_260] : memref<65536x128xf32, #tpu.memory_space<hbm>> -> memref<65536x128xf32, #tpu.memory_space<hbm>>
      tpu.enqueue_indirect_dma source(%dma_start3A_261 : memref<65536x128xf32, #tpu.memory_space<hbm>>) target(%arg7 : memref<128x128xf32, #tpu.memory_space<vmem>>) offsets(%dma_start3A_258 : memref<128xi32, #tpu.memory_space<vmem>>) semaphore(%arg12 : memref<!tpu.dma_semaphore, #tpu.memory_space<semaphore_mem>>)
      %add3A_262 = arith.constant 2 : i32
      %add3A_263 = arith.addi %mul3A_138, %add3A_262 : i32
      %mul3A_264 = arith.constant 128 : i32
      %mul3A_265 = arith.muli %add3A_263, %mul3A_264 : i32
      %add3A_266 = arith.addi %mul3A_2, %mul3A_265 : i32
      %dma_wait3A_267 = arith.constant 0 : i32
      %dma_wait3A_268 = tpu.memref_slice %arg4[%add3A_266, %dma_wait3A_267] : memref<204800x128xf32, #tpu.memory_space<hbm>> -> memref<128x128xf32, #tpu.memory_space<hbm>>
      %dma_wait3A_269 = arith.constant 0 : i32
      %dma_wait3A_270 = tpu.memref_slice %arg4[%add3A_266, %dma_wait3A_269] : memref<204800x128xf32, #tpu.memory_space<hbm>> -> memref<128x128xf32, #tpu.memory_space<hbm>>
      tpu.wait_dma2 semaphore(%arg18 : memref<!tpu.dma_semaphore, #tpu.memory_space<semaphore_mem>>) src(%arg8 : memref<128x128xf32, #tpu.memory_space<vmem>>) dst(%dma_wait3A_270 : memref<128x128xf32, #tpu.memory_space<hbm>>)
      %add3A_271 = arith.constant 5 : i32
      %add3A_272 = arith.addi %mul3A_138, %add3A_271 : i32
      %add3A_273 = arith.constant 2 : i32
      %add3A_274 = arith.addi %add3A_272, %add3A_273 : i32
      %dma_start3A_275 = arith.constant 0 : i32
      %dma_start3A_276 = tpu.memref_slice %arg5[%add3A_274, %dma_start3A_275] : memref<50x128xi32, #tpu.memory_space<vmem>> -> memref<1x128xi32, #tpu.memory_space<vmem>>
      %dma_start3A_277 = tpu.memref_squeeze %dma_start3A_276 : memref<1x128xi32, #tpu.memory_space<vmem>> -> memref<128xi32, #tpu.memory_space<vmem>>
      %dma_start3A_278 = arith.constant 0 : i32
      %dma_start3A_279 = arith.constant 0 : i32
      %dma_start3A_280 = tpu.memref_slice %arg2[%dma_start3A_278, %dma_start3A_279] : memref<65536x128xf32, #tpu.memory_space<hbm>> -> memref<65536x128xf32, #tpu.memory_space<hbm>>
      tpu.enqueue_indirect_dma source(%dma_start3A_280 : memref<65536x128xf32, #tpu.memory_space<hbm>>) target(%arg8 : memref<128x128xf32, #tpu.memory_space<vmem>>) offsets(%dma_start3A_277 : memref<128xi32, #tpu.memory_space<vmem>>) semaphore(%arg13 : memref<!tpu.dma_semaphore, #tpu.memory_space<semaphore_mem>>)
      %add3A_281 = arith.constant 3 : i32
      %add3A_282 = arith.addi %mul3A_138, %add3A_281 : i32
      %mul3A_283 = arith.constant 128 : i32
      %mul3A_284 = arith.muli %add3A_282, %mul3A_283 : i32
      %add3A_285 = arith.addi %mul3A_2, %mul3A_284 : i32
      %dma_wait3A_286 = arith.constant 0 : i32
      %dma_wait3A_287 = tpu.memref_slice %arg4[%add3A_285, %dma_wait3A_286] : memref<204800x128xf32, #tpu.memory_space<hbm>> -> memref<128x128xf32, #tpu.memory_space<hbm>>
      %dma_wait3A_288 = arith.constant 0 : i32
      %dma_wait3A_289 = tpu.memref_slice %arg4[%add3A_285, %dma_wait3A_288] : memref<204800x128xf32, #tpu.memory_space<hbm>> -> memref<128x128xf32, #tpu.memory_space<hbm>>
      tpu.wait_dma2 semaphore(%arg19 : memref<!tpu.dma_semaphore, #tpu.memory_space<semaphore_mem>>) src(%arg9 : memref<128x128xf32, #tpu.memory_space<vmem>>) dst(%dma_wait3A_289 : memref<128x128xf32, #tpu.memory_space<hbm>>)
      %add3A_290 = arith.constant 5 : i32
      %add3A_291 = arith.addi %mul3A_138, %add3A_290 : i32
      %add3A_292 = arith.constant 3 : i32
      %add3A_293 = arith.addi %add3A_291, %add3A_292 : i32
      %dma_start3A_294 = arith.constant 0 : i32
      %dma_start3A_295 = tpu.memref_slice %arg5[%add3A_293, %dma_start3A_294] : memref<50x128xi32, #tpu.memory_space<vmem>> -> memref<1x128xi32, #tpu.memory_space<vmem>>
      %dma_start3A_296 = tpu.memref_squeeze %dma_start3A_295 : memref<1x128xi32, #tpu.memory_space<vmem>> -> memref<128xi32, #tpu.memory_space<vmem>>
      %dma_start3A_297 = arith.constant 0 : i32
      %dma_start3A_298 = arith.constant 0 : i32
      %dma_start3A_299 = tpu.memref_slice %arg2[%dma_start3A_297, %dma_start3A_298] : memref<65536x128xf32, #tpu.memory_space<hbm>> -> memref<65536x128xf32, #tpu.memory_space<hbm>>
      tpu.enqueue_indirect_dma source(%dma_start3A_299 : memref<65536x128xf32, #tpu.memory_space<hbm>>) target(%arg9 : memref<128x128xf32, #tpu.memory_space<vmem>>) offsets(%dma_start3A_296 : memref<128xi32, #tpu.memory_space<vmem>>) semaphore(%arg14 : memref<!tpu.dma_semaphore, #tpu.memory_space<semaphore_mem>>)
      %add3A_300 = arith.constant 4 : i32
      %add3A_301 = arith.addi %mul3A_138, %add3A_300 : i32
      %mul3A_302 = arith.constant 128 : i32
      %mul3A_303 = arith.muli %add3A_301, %mul3A_302 : i32
      %add3A_304 = arith.addi %mul3A_2, %mul3A_303 : i32
      %dma_wait3A_305 = arith.constant 0 : i32
      %dma_wait3A_306 = tpu.memref_slice %arg4[%add3A_304, %dma_wait3A_305] : memref<204800x128xf32, #tpu.memory_space<hbm>> -> memref<128x128xf32, #tpu.memory_space<hbm>>
      %dma_wait3A_307 = arith.constant 0 : i32
      %dma_wait3A_308 = tpu.memref_slice %arg4[%add3A_304, %dma_wait3A_307] : memref<204800x128xf32, #tpu.memory_space<hbm>> -> memref<128x128xf32, #tpu.memory_space<hbm>>
      tpu.wait_dma2 semaphore(%arg20 : memref<!tpu.dma_semaphore, #tpu.memory_space<semaphore_mem>>) src(%arg10 : memref<128x128xf32, #tpu.memory_space<vmem>>) dst(%dma_wait3A_308 : memref<128x128xf32, #tpu.memory_space<hbm>>)
      %add3A_309 = arith.constant 5 : i32
      %add3A_310 = arith.addi %mul3A_138, %add3A_309 : i32
      %add3A_311 = arith.constant 4 : i32
      %add3A_312 = arith.addi %add3A_310, %add3A_311 : i32
      %dma_start3A_313 = arith.constant 0 : i32
      %dma_start3A_314 = tpu.memref_slice %arg5[%add3A_312, %dma_start3A_313] : memref<50x128xi32, #tpu.memory_space<vmem>> -> memref<1x128xi32, #tpu.memory_space<vmem>>
      %dma_start3A_315 = tpu.memref_squeeze %dma_start3A_314 : memref<1x128xi32, #tpu.memory_space<vmem>> -> memref<128xi32, #tpu.memory_space<vmem>>
      %dma_start3A_316 = arith.constant 0 : i32
      %dma_start3A_317 = arith.constant 0 : i32
      %dma_start3A_318 = tpu.memref_slice %arg2[%dma_start3A_316, %dma_start3A_317] : memref<65536x128xf32, #tpu.memory_space<hbm>> -> memref<65536x128xf32, #tpu.memory_space<hbm>>
      tpu.enqueue_indirect_dma source(%dma_start3A_318 : memref<65536x128xf32, #tpu.memory_space<hbm>>) target(%arg10 : memref<128x128xf32, #tpu.memory_space<vmem>>) offsets(%dma_start3A_315 : memref<128xi32, #tpu.memory_space<vmem>>) semaphore(%arg15 : memref<!tpu.dma_semaphore, #tpu.memory_space<semaphore_mem>>)
    }
    %scan3A_41 = arith.constant 9 : i32
    %dma_wait3A = arith.constant 45 : i32
    %dma_wait3A_42 = arith.constant 0 : i32
    %dma_wait3A_43 = tpu.memref_slice %arg5[%dma_wait3A, %dma_wait3A_42] : memref<50x128xi32, #tpu.memory_space<vmem>> -> memref<1x128xi32, #tpu.memory_space<vmem>>
    %dma_wait3A_44 = tpu.memref_squeeze %dma_wait3A_43 : memref<1x128xi32, #tpu.memory_space<vmem>> -> memref<128xi32, #tpu.memory_space<vmem>>
    %dma_wait3A_45 = arith.constant 0 : i32
    %dma_wait3A_46 = arith.constant 0 : i32
    %dma_wait3A_47 = tpu.memref_slice %arg2[%dma_wait3A_45, %dma_wait3A_46] : memref<65536x128xf32, #tpu.memory_space<hbm>> -> memref<65536x128xf32, #tpu.memory_space<hbm>>
    tpu.wait_indirect_dma semaphore(%arg11 : memref<!tpu.dma_semaphore, #tpu.memory_space<semaphore_mem>>) src(%dma_wait3A_47 : memref<65536x128xf32, #tpu.memory_space<hbm>>) dst(%arg6 : memref<128x128xf32, #tpu.memory_space<vmem>>)
    %add3A_48 = arith.constant 5760 : i32
    %add3A_49 = arith.addi %mul3A_2, %add3A_48 : i32
    %dma_start3A_50 = arith.constant 0 : i32
    %dma_start3A_51 = tpu.memref_slice %arg4[%add3A_49, %dma_start3A_50] : memref<204800x128xf32, #tpu.memory_space<hbm>> -> memref<128x128xf32, #tpu.memory_space<hbm>>
    %dma_start3A_52 = arith.constant 0 : i32
    %dma_start3A_53 = tpu.memref_slice %arg4[%add3A_49, %dma_start3A_52] : memref<204800x128xf32, #tpu.memory_space<hbm>> -> memref<128x128xf32, #tpu.memory_space<hbm>>
    tpu.enqueue_dma source(%arg6 : memref<128x128xf32, #tpu.memory_space<vmem>>) target(%dma_start3A_53 : memref<128x128xf32, #tpu.memory_space<hbm>>) target_semaphore(%arg16 : memref<!tpu.dma_semaphore, #tpu.memory_space<semaphore_mem>>)
    %dma_wait3A_54 = arith.constant 46 : i32
    %dma_wait3A_55 = arith.constant 0 : i32
    %dma_wait3A_56 = tpu.memref_slice %arg5[%dma_wait3A_54, %dma_wait3A_55] : memref<50x128xi32, #tpu.memory_space<vmem>> -> memref<1x128xi32, #tpu.memory_space<vmem>>
    %dma_wait3A_57 = tpu.memref_squeeze %dma_wait3A_56 : memref<1x128xi32, #tpu.memory_space<vmem>> -> memref<128xi32, #tpu.memory_space<vmem>>
    %dma_wait3A_58 = arith.constant 0 : i32
    %dma_wait3A_59 = arith.constant 0 : i32
    %dma_wait3A_60 = tpu.memref_slice %arg2[%dma_wait3A_58, %dma_wait3A_59] : memref<65536x128xf32, #tpu.memory_space<hbm>> -> memref<65536x128xf32, #tpu.memory_space<hbm>>
    tpu.wait_indirect_dma semaphore(%arg12 : memref<!tpu.dma_semaphore, #tpu.memory_space<semaphore_mem>>) src(%dma_wait3A_60 : memref<65536x128xf32, #tpu.memory_space<hbm>>) dst(%arg7 : memref<128x128xf32, #tpu.memory_space<vmem>>)
    %add3A_61 = arith.constant 5888 : i32
    %add3A_62 = arith.addi %mul3A_2, %add3A_61 : i32
    %dma_start3A_63 = arith.constant 0 : i32
    %dma_start3A_64 = tpu.memref_slice %arg4[%add3A_62, %dma_start3A_63] : memref<204800x128xf32, #tpu.memory_space<hbm>> -> memref<128x128xf32, #tpu.memory_space<hbm>>
    %dma_start3A_65 = arith.constant 0 : i32
    %dma_start3A_66 = tpu.memref_slice %arg4[%add3A_62, %dma_start3A_65] : memref<204800x128xf32, #tpu.memory_space<hbm>> -> memref<128x128xf32, #tpu.memory_space<hbm>>
    tpu.enqueue_dma source(%arg7 : memref<128x128xf32, #tpu.memory_space<vmem>>) target(%dma_start3A_66 : memref<128x128xf32, #tpu.memory_space<hbm>>) target_semaphore(%arg17 : memref<!tpu.dma_semaphore, #tpu.memory_space<semaphore_mem>>)
    %dma_wait3A_67 = arith.constant 47 : i32
    %dma_wait3A_68 = arith.constant 0 : i32
    %dma_wait3A_69 = tpu.memref_slice %arg5[%dma_wait3A_67, %dma_wait3A_68] : memref<50x128xi32, #tpu.memory_space<vmem>> -> memref<1x128xi32, #tpu.memory_space<vmem>>
    %dma_wait3A_70 = tpu.memref_squeeze %dma_wait3A_69 : memref<1x128xi32, #tpu.memory_space<vmem>> -> memref<128xi32, #tpu.memory_space<vmem>>
    %dma_wait3A_71 = arith.constant 0 : i32
    %dma_wait3A_72 = arith.constant 0 : i32
    %dma_wait3A_73 = tpu.memref_slice %arg2[%dma_wait3A_71, %dma_wait3A_72] : memref<65536x128xf32, #tpu.memory_space<hbm>> -> memref<65536x128xf32, #tpu.memory_space<hbm>>
    tpu.wait_indirect_dma semaphore(%arg13 : memref<!tpu.dma_semaphore, #tpu.memory_space<semaphore_mem>>) src(%dma_wait3A_73 : memref<65536x128xf32, #tpu.memory_space<hbm>>) dst(%arg8 : memref<128x128xf32, #tpu.memory_space<vmem>>)
    %add3A_74 = arith.constant 6016 : i32
    %add3A_75 = arith.addi %mul3A_2, %add3A_74 : i32
    %dma_start3A_76 = arith.constant 0 : i32
    %dma_start3A_77 = tpu.memref_slice %arg4[%add3A_75, %dma_start3A_76] : memref<204800x128xf32, #tpu.memory_space<hbm>> -> memref<128x128xf32, #tpu.memory_space<hbm>>
    %dma_start3A_78 = arith.constant 0 : i32
    %dma_start3A_79 = tpu.memref_slice %arg4[%add3A_75, %dma_start3A_78] : memref<204800x128xf32, #tpu.memory_space<hbm>> -> memref<128x128xf32, #tpu.memory_space<hbm>>
    tpu.enqueue_dma source(%arg8 : memref<128x128xf32, #tpu.memory_space<vmem>>) target(%dma_start3A_79 : memref<128x128xf32, #tpu.memory_space<hbm>>) target_semaphore(%arg18 : memref<!tpu.dma_semaphore, #tpu.memory_space<semaphore_mem>>)
    %dma_wait3A_80 = arith.constant 48 : i32
    %dma_wait3A_81 = arith.constant 0 : i32
    %dma_wait3A_82 = tpu.memref_slice %arg5[%dma_wait3A_80, %dma_wait3A_81] : memref<50x128xi32, #tpu.memory_space<vmem>> -> memref<1x128xi32, #tpu.memory_space<vmem>>
    %dma_wait3A_83 = tpu.memref_squeeze %dma_wait3A_82 : memref<1x128xi32, #tpu.memory_space<vmem>> -> memref<128xi32, #tpu.memory_space<vmem>>
    %dma_wait3A_84 = arith.constant 0 : i32
    %dma_wait3A_85 = arith.constant 0 : i32
    %dma_wait3A_86 = tpu.memref_slice %arg2[%dma_wait3A_84, %dma_wait3A_85] : memref<65536x128xf32, #tpu.memory_space<hbm>> -> memref<65536x128xf32, #tpu.memory_space<hbm>>
    tpu.wait_indirect_dma semaphore(%arg14 : memref<!tpu.dma_semaphore, #tpu.memory_space<semaphore_mem>>) src(%dma_wait3A_86 : memref<65536x128xf32, #tpu.memory_space<hbm>>) dst(%arg9 : memref<128x128xf32, #tpu.memory_space<vmem>>)
    %add3A_87 = arith.constant 6144 : i32
    %add3A_88 = arith.addi %mul3A_2, %add3A_87 : i32
    %dma_start3A_89 = arith.constant 0 : i32
    %dma_start3A_90 = tpu.memref_slice %arg4[%add3A_88, %dma_start3A_89] : memref<204800x128xf32, #tpu.memory_space<hbm>> -> memref<128x128xf32, #tpu.memory_space<hbm>>
    %dma_start3A_91 = arith.constant 0 : i32
    %dma_start3A_92 = tpu.memref_slice %arg4[%add3A_88, %dma_start3A_91] : memref<204800x128xf32, #tpu.memory_space<hbm>> -> memref<128x128xf32, #tpu.memory_space<hbm>>
    tpu.enqueue_dma source(%arg9 : memref<128x128xf32, #tpu.memory_space<vmem>>) target(%dma_start3A_92 : memref<128x128xf32, #tpu.memory_space<hbm>>) target_semaphore(%arg19 : memref<!tpu.dma_semaphore, #tpu.memory_space<semaphore_mem>>)
    %dma_wait3A_93 = arith.constant 49 : i32
    %dma_wait3A_94 = arith.constant 0 : i32
    %dma_wait3A_95 = tpu.memref_slice %arg5[%dma_wait3A_93, %dma_wait3A_94] : memref<50x128xi32, #tpu.memory_space<vmem>> -> memref<1x128xi32, #tpu.memory_space<vmem>>
    %dma_wait3A_96 = tpu.memref_squeeze %dma_wait3A_95 : memref<1x128xi32, #tpu.memory_space<vmem>> -> memref<128xi32, #tpu.memory_space<vmem>>
    %dma_wait3A_97 = arith.constant 0 : i32
    %dma_wait3A_98 = arith.constant 0 : i32
    %dma_wait3A_99 = tpu.memref_slice %arg2[%dma_wait3A_97, %dma_wait3A_98] : memref<65536x128xf32, #tpu.memory_space<hbm>> -> memref<65536x128xf32, #tpu.memory_space<hbm>>
    tpu.wait_indirect_dma semaphore(%arg15 : memref<!tpu.dma_semaphore, #tpu.memory_space<semaphore_mem>>) src(%dma_wait3A_99 : memref<65536x128xf32, #tpu.memory_space<hbm>>) dst(%arg10 : memref<128x128xf32, #tpu.memory_space<vmem>>)
    %add3A_100 = arith.constant 6272 : i32
    %add3A_101 = arith.addi %mul3A_2, %add3A_100 : i32
    %dma_start3A_102 = arith.constant 0 : i32
    %dma_start3A_103 = tpu.memref_slice %arg4[%add3A_101, %dma_start3A_102] : memref<204800x128xf32, #tpu.memory_space<hbm>> -> memref<128x128xf32, #tpu.memory_space<hbm>>
    %dma_start3A_104 = arith.constant 0 : i32
    %dma_start3A_105 = tpu.memref_slice %arg4[%add3A_101, %dma_start3A_104] : memref<204800x128xf32, #tpu.memory_space<hbm>> -> memref<128x128xf32, #tpu.memory_space<hbm>>
    tpu.enqueue_dma source(%arg10 : memref<128x128xf32, #tpu.memory_space<vmem>>) target(%dma_start3A_105 : memref<128x128xf32, #tpu.memory_space<hbm>>) target_semaphore(%arg20 : memref<!tpu.dma_semaphore, #tpu.memory_space<semaphore_mem>>)
    %add3A_106 = arith.constant 5760 : i32
    %add3A_107 = arith.addi %mul3A_2, %add3A_106 : i32
    %dma_wait3A_108 = arith.constant 0 : i32
    %dma_wait3A_109 = tpu.memref_slice %arg4[%add3A_107, %dma_wait3A_108] : memref<204800x128xf32, #tpu.memory_space<hbm>> -> memref<128x128xf32, #tpu.memory_space<hbm>>
    %dma_wait3A_110 = arith.constant 0 : i32
    %dma_wait3A_111 = tpu.memref_slice %arg4[%add3A_107, %dma_wait3A_110] : memref<204800x128xf32, #tpu.memory_space<hbm>> -> memref<128x128xf32, #tpu.memory_space<hbm>>
    tpu.wait_dma2 semaphore(%arg16 : memref<!tpu.dma_semaphore, #tpu.memory_space<semaphore_mem>>) src(%arg6 : memref<128x128xf32, #tpu.memory_space<vmem>>) dst(%dma_wait3A_111 : memref<128x128xf32, #tpu.memory_space<hbm>>)
    %add3A_112 = arith.constant 5888 : i32
    %add3A_113 = arith.addi %mul3A_2, %add3A_112 : i32
    %dma_wait3A_114 = arith.constant 0 : i32
    %dma_wait3A_115 = tpu.memref_slice %arg4[%add3A_113, %dma_wait3A_114] : memref<204800x128xf32, #tpu.memory_space<hbm>> -> memref<128x128xf32, #tpu.memory_space<hbm>>
    %dma_wait3A_116 = arith.constant 0 : i32
    %dma_wait3A_117 = tpu.memref_slice %arg4[%add3A_113, %dma_wait3A_116] : memref<204800x128xf32, #tpu.memory_space<hbm>> -> memref<128x128xf32, #tpu.memory_space<hbm>>
    tpu.wait_dma2 semaphore(%arg17 : memref<!tpu.dma_semaphore, #tpu.memory_space<semaphore_mem>>) src(%arg7 : memref<128x128xf32, #tpu.memory_space<vmem>>) dst(%dma_wait3A_117 : memref<128x128xf32, #tpu.memory_space<hbm>>)
    %add3A_118 = arith.constant 6016 : i32
    %add3A_119 = arith.addi %mul3A_2, %add3A_118 : i32
    %dma_wait3A_120 = arith.constant 0 : i32
    %dma_wait3A_121 = tpu.memref_slice %arg4[%add3A_119, %dma_wait3A_120] : memref<204800x128xf32, #tpu.memory_space<hbm>> -> memref<128x128xf32, #tpu.memory_space<hbm>>
    %dma_wait3A_122 = arith.constant 0 : i32
    %dma_wait3A_123 = tpu.memref_slice %arg4[%add3A_119, %dma_wait3A_122] : memref<204800x128xf32, #tpu.memory_space<hbm>> -> memref<128x128xf32, #tpu.memory_space<hbm>>
    tpu.wait_dma2 semaphore(%arg18 : memref<!tpu.dma_semaphore, #tpu.memory_space<semaphore_mem>>) src(%arg8 : memref<128x128xf32, #tpu.memory_space<vmem>>) dst(%dma_wait3A_123 : memref<128x128xf32, #tpu.memory_space<hbm>>)
    %add3A_124 = arith.constant 6144 : i32
    %add3A_125 = arith.addi %mul3A_2, %add3A_124 : i32
    %dma_wait3A_126 = arith.constant 0 : i32
    %dma_wait3A_127 = tpu.memref_slice %arg4[%add3A_125, %dma_wait3A_126] : memref<204800x128xf32, #tpu.memory_space<hbm>> -> memref<128x128xf32, #tpu.memory_space<hbm>>
    %dma_wait3A_128 = arith.constant 0 : i32
    %dma_wait3A_129 = tpu.memref_slice %arg4[%add3A_125, %dma_wait3A_128] : memref<204800x128xf32, #tpu.memory_space<hbm>> -> memref<128x128xf32, #tpu.memory_space<hbm>>
    tpu.wait_dma2 semaphore(%arg19 : memref<!tpu.dma_semaphore, #tpu.memory_space<semaphore_mem>>) src(%arg9 : memref<128x128xf32, #tpu.memory_space<vmem>>) dst(%dma_wait3A_129 : memref<128x128xf32, #tpu.memory_space<hbm>>)
    %add3A_130 = arith.constant 6272 : i32
    %add3A_131 = arith.addi %mul3A_2, %add3A_130 : i32
    %dma_wait3A_132 = arith.constant 0 : i32
    %dma_wait3A_133 = tpu.memref_slice %arg4[%add3A_131, %dma_wait3A_132] : memref<204800x128xf32, #tpu.memory_space<hbm>> -> memref<128x128xf32, #tpu.memory_space<hbm>>
    %dma_wait3A_134 = arith.constant 0 : i32
    %dma_wait3A_135 = tpu.memref_slice %arg4[%add3A_131, %dma_wait3A_134] : memref<204800x128xf32, #tpu.memory_space<hbm>> -> memref<128x128xf32, #tpu.memory_space<hbm>>
    tpu.wait_dma2 semaphore(%arg20 : memref<!tpu.dma_semaphore, #tpu.memory_space<semaphore_mem>>) src(%arg10 : memref<128x128xf32, #tpu.memory_space<vmem>>) dst(%dma_wait3A_135 : memref<128x128xf32, #tpu.memory_space<hbm>>)
    return
  }
}

</mosaic_0001>

<sc_bundles>
// kernel: kernel.3.cloned.1.call-start
scs
__scs_entry_jumppad:
0x0: {  	(pc) =	sbr.rel $0x88, $3  }
0x1: {  	(tag) =	ssettag $0x0;
	lr =	simm.s32 $0x1  }
0x2: {  	[smem:$0x3FA0] =	sst lr;
	_ =	strace $0xD0000000  }
0x3: {  	_ = 	snop  }
0x4: {  	_ = 	snop  }
0x5: {  	_ = 	snop  }
0x6: {  	_ = 	snop  }
0x7: {  	_ = 	snop  }
__scs_overlays_trampoline_lowered:
0x8: {  	[smem:$0x3FAF] =	sst s0  }
0x9: {  	[smem:$0x3FB0] =	sst s1  }
0xa: {  	[smem:$0x3FB1] =	sst s2  }
0xb: {  	[smem:$0x3FB2] =	sst s3  }
0xc: {  	[smem:$0x3FB3] =	sst s4  }
0xd: {  	[smem:$0x3FB4] =	sst s5  }
0xe: {  	[smem:$0x3FB5] =	sst s6  }
0xf: {  	[smem:$0x3FB6] =	sst s7  }
0x10: {  	[smem:$0x3FB7] =	sst s8  }
0x11: {  	[smem:$0x3FB8] =	sst s9;
	s0 =	simm.s32 @!p0 $0x0  }
0x12: {  	s1 =	sld [smem:$0x3F9E];
	s0 =	simm.s32 @p0 $0x1  }
0x13: {  	[smem:$0x3FB9] =	sst s0;
	s0 =	simm.s32 @!p1 $0x0  }
0x14: {  	s2 =	sld [smem:$0x3F9D];
	s0 =	simm.s32 @p1 $0x1  }
0x15: {  	[smem:$0x3FBA] =	sst s0;
	s0 =	simm.s32 @!p2 $0x0  }
0x16: {  	s3 =	sld [smem:$0x3FDB];
	s0 =	simm.s32 @p2 $0x1  }
0x17: {  	s4 =	simm.s32 $0x1BF5;
	[smem:$0x3FBC] =	sst s0  }
0x18: {  	s0 =	sld [smem:$0x3F9F];
	_ =	swait.ge [sflag:s4], $0x0  }
0x19: {  	s7 =	sld [smem:$0x3FA0]  }
0x1a: {  	s8 =	sadd.s32 $0xFFFFE003, lr  }
0x1b: {  	s9 =	sadd.s32 $0xFFFFFEF7, lr;
	s5 =	simm.s32 $0xFFFFFFFF;
	p2 =	slt.u32 s8, $0xFFFFF086  }
0x1c: {  	p1 =	slt.u32 s9, $0xF7A;
	s5 =	simm.s32 @!p2 $0x0  }
0x1d: {  	s5 =	simm.s32 @p1 $0x1;
	p0 =	seq.s32 s7, s2  }
0x1e: {  	s7 =	smul.u32 @!p0 $0xF7A, s2;
	p2 =	seq.s32 @!p0 s5, $0x0  }
0x1f: {  	s9 =	smul.u32 $0xF7A, s1;
	s8 =	simm.s32 @!p0 $0x1BF5;
	p2 =	por !p2, p0  }
0x20: {  	[sflag:s8] =	ssyncset.s32 @!p0 $0xFFFFF086;
	s6 =	sadd.s32 @!p0 s3, s7;
	s7 =	simm.s32 @!p0 $0x108  }
0x21: {  	s3 =	sadd.s32 s3, s9;
	s6 =	sadd.s32 @!p0 $0x88, s6;
	s7 =	simm.s32 @p2 $0x1082  }
0x22: {  	[simem:s7], [sflag:s8] =	dma.local @!p0 [hbm:s6], $0xF7A  }
0x23: {  	s9 =	sor.u32 $0xD0000000, s2;
	s6 =	simm.s32 $0x108;
	_ =	swait.ge @!p0 [sflag:s8], $0x0  }
0x24: {  	s3 =	sadd.s32 $0x88, s3;
	s6 =	simm.s32 @!p1 $0x1082;
	[sflag:s4] =	ssyncset.s32 $0xFFFFF086  }
0x25: {  	[simem:s6], [sflag:s4] =	dma.local [hbm:s3], $0xF7A  }
0x26: {  	[smem:$0x3FA0] =	sst s1;
	(tag) =	ssettag s2;
	_ =	strace s9  }
0x27: {  	s1 =	sld [smem:$0x3FB0]  }
0x28: {  	s2 =	sld [smem:$0x3FB1]  }
0x29: {  	s4 =	sld [smem:$0x3FB3]  }
0x2a: {  	p0 =	seq.s32 s5, $0x0;
	s5 =	sld [smem:$0x3FB4]  }
0x2b: {  	s6 =	sld [smem:$0x3FB5]  }
0x2c: {  	s7 =	sld [smem:$0x3FB6]  }
0x2d: {  	s3 =	simm.s32 $0x108;
	s8 =	sld [smem:$0x3FB7]  }
0x2e: {  	s3 =	simm.s32 @!p0 $0x1082;
	s9 =	sld [smem:$0x3FB8]  }
0x2f: {  	lr =	sadd.s32 s0, s3;
	s0 =	sld [smem:$0x3FAF]  }
0x30: {  	s3 =	sld [smem:$0x3FB2]  }
0x31: {  	[smem:$0x3FBB] =	sst s10  }
0x32: {  	s10 =	sld [smem:$0x3FB9];
	_ =	sdelay $0x3  }
0x33: {  	p0 =	seq.s32 s10, $0x1;
	s10 =	sld [smem:$0x3FBB];
	_ =	sdelay $0x3  }
0x34: {  	[smem:$0x3FBB] =	sst s10  }
0x35: {  	s10 =	sld [smem:$0x3FBA];
	_ =	sdelay $0x3  }
0x36: {  	p1 =	seq.s32 s10, $0x1;
	s10 =	sld [smem:$0x3FBB];
	_ =	sdelay $0x3  }
0x37: {  	[smem:$0x3FBB] =	sst s10  }
0x38: {  	s10 =	sld [smem:$0x3FBC]  }
0x39: {  	_ = 	snop;
	(pc) =	sbr.ind lr, $3  }
0x3a: {  	_ = 	snop  }
0x3b: {  	_ = 	snop  }
0x3c: {  	p2 =	seq.s32 s10, $0x1;
	s10 =	sld [smem:$0x3FBB]  }
0x3d: {  	_ =	shalt  }
0x3e: {  	_ =	shalt  }
0x3f: {  	_ =	shalt  }
0x40: {  	_ =	shalt  }
0x41: {  	_ =	shalt  }
0x42: {  	_ =	shalt  }
0x43: {  	_ =	shalt  }
0x44: {  	_ =	shalt  }
0x45: {  	_ =	shalt  }
0x46: {  	_ =	shalt  }
0x47: {  	_ =	shalt  }
0x48: {  	_ =	shalt  }
0x49: {  	_ =	shalt  }
0x4a: {  	_ =	shalt  }
0x4b: {  	_ =	shalt  }
0x4c: {  	_ =	shalt  }
0x4d: {  	_ =	shalt  }
0x4e: {  	_ =	shalt  }
0x4f: {  	_ =	shalt  }
0x50: {  	_ =	shalt  }
0x51: {  	_ =	shalt  }
0x52: {  	_ =	shalt  }
0x53: {  	_ =	shalt  }
0x54: {  	_ =	shalt  }
0x55: {  	_ =	shalt  }
0x56: {  	_ =	shalt  }
0x57: {  	_ =	shalt  }
0x58: {  	_ =	shalt  }
0x59: {  	_ =	shalt  }
0x5a: {  	_ =	shalt  }
0x5b: {  	_ =	shalt  }
0x5c: {  	_ =	shalt  }
0x5d: {  	_ =	shalt  }
0x5e: {  	_ =	shalt  }
0x5f: {  	_ =	shalt  }
0x60: {  	_ =	shalt  }
0x61: {  	_ =	shalt  }
0x62: {  	_ =	shalt  }
0x63: {  	_ =	shalt  }
0x64: {  	_ =	shalt  }
0x65: {  	_ =	shalt  }
0x66: {  	_ =	shalt  }
0x67: {  	_ =	shalt  }
0x68: {  	_ =	shalt  }
0x69: {  	_ =	shalt  }
0x6a: {  	_ =	shalt  }
0x6b: {  	_ =	shalt  }
0x6c: {  	_ =	shalt  }
0x6d: {  	_ =	shalt  }
0x6e: {  	_ =	shalt  }
0x6f: {  	_ =	shalt  }
0x70: {  	_ =	shalt  }
0x71: {  	_ =	shalt  }
0x72: {  	_ =	shalt  }
0x73: {  	_ =	shalt  }
0x74: {  	_ =	shalt  }
0x75: {  	_ =	shalt  }
0x76: {  	_ =	shalt  }
0x77: {  	_ =	shalt  }
0x78: {  	_ =	shalt  }
0x79: {  	_ =	shalt  }
0x7a: {  	_ =	shalt  }
0x7b: {  	_ =	shalt  }
0x7c: {  	_ =	shalt  }
0x7d: {  	_ =	shalt  }
0x7e: {  	_ =	shalt  }
0x7f: {  	_ =	shalt  }
0x80: {  	_ =	shalt  }
0x81: {  	_ =	shalt  }
0x82: {  	_ =	shalt  }
0x83: {  	_ =	shalt  }
0x84: {  	_ =	shalt  }
0x85: {  	_ =	shalt  }
0x86: {  	_ =	shalt  }
0x87: {  	_ =	shalt  }
.Lfunc_end0:
.L_simem_size_0:
called_computation_lowered:
.L_overlay_start_0:
0x88: {  	s2 =	sld [smem:$0x3FD9]  }
0x89: {  	s3 =	sld [smem:$0x3FFE];
	_ =	sdelay $0x1  }
0x8a: {  	s1 =	srdreg.scid  }
0x8b: {  	s0 =	sand.u32 $0x1, s1  }
0x8c: {  	s14 =	sshll.u32 s0, $0xA;
	s2 =	sadd.s32 s3, s2  }
0x8d: {  	s2 =	sadd.s32 s2, s14  }
0x8e: {  	[smem:$0x3FC7] =	sst s2  }
0x8f: {  	_ = 	snop  }
0x90: {  	s2 =	sld [smem:$0x3FD0];
	_ =	sdelay $0x2  }
0x91: {  	s4 =	simm.s32 $0xA;
	s5 =	simm.s32 $0x10;
	s15 =	sld [smem:$0x3FC9]  }
0x92: {  	[smem:s5], [sflag:s4] =	dma.local [hbm:s2], $0x1  }
0x93: {  	_ =	swait.eq [sflag:s4], $0x1  }
0x94: {  	[sflag:s4] =	ssyncset.done $0x0  }
0x95: {  	[sflag:s4] =	ssyncadd.s32 $0xFFFFFFFF  }
0x96: {  	s16 =	sld [smem:$0x10];
	(tm) =	ssettm $0x1  }
0x97: {  	s17 =	sld [smem:$0x3FFB];
	_ =	sdelay $0x3  }
0x98: {  	_ =	strace s17  }
0x99: {  	s4 =	sld [smem:$0x3FFC];
	_ =	sdelay $0x3  }
0x9a: {  	_ =	strace s4  }
0x9b: {  	s4 =	sld [smem:$0x3FFD];
	_ =	sdelay $0x3  }
0x9c: {  	_ =	strace s4  }
0x9d: {  	_ =	strace $0x8FFFFFFF  }
0x9e: {  	s18 =	sld [smem:$0x3FDB];
	_ =	sdelay $0x1  }
0x9f: {  	s19 =	simm.s32 $_scs_section_size  }
0xa0: {  	s6 =	simm.s32 $_size__tile_overlayer_lowered;
	s7 =	simm.s32 $_tile_overlayer_lowered  }
0xa1: {  	s22 =	simm.s32 $0x1BFF;
	s21 =	sshll.u32 s7, $0x1;
	s4 =	sadd.s32 s19, s18  }
0xa2: {  	s8 =	simm.s32 $0x0;
	s20 =	sshll.u32 s6, $0x1;
	s6 =	sadd.s32 s21, s4  }
0xa3: {  	[timem:s8], [sflag:s22] =	dma.local [hbm:s6], s20  }
0xa4: {  	_ =	swait.ge [sflag:s22], s20  }
0xa5: {  	s5 =	ssub.s32 $0x0, s20;
	[sflag:s22] =	ssyncset.done $0x0  }
0xa6: {  	[sflag:s22] =	ssyncadd.s32 s5;
	_ =	sdelay $0x1  }
0xa7: {  	s23 =	simm.s32 $0x1B8B  }
0xa8: {  	_ =	swait.ge [sflag:s23], $0x1  }
0xa9: {  	[sflag:s23] =	ssyncset.done $0x0  }
0xaa: {  	s25 =	simm.s32 $0x1B8E;
	s24 =	sld [smem:$0x3FFE];
	[sflag:s23] =	ssyncadd.s32 $0xFFFFFFFF  }
0xab: {  	s26 =	simm.s32 $execute0_lowered;
	[smem:$0x3FD2] =	sst s25  }
0xac: {  	s6 =	sshll.u32 s26, $0x1;
	_ =	strace $0x80000046;
	[dreg:$0x1] =	wrdreg $0xFFFFFFFF  }
0xad: {  	s28 =	simm.s32 $_size_execute0_lowered;
	s4 =	sadd.s32 s4, s6;
	[dreg:$0x0] =	wrdreg $0x0  }
0xae: {  	s6 =	sshll.u32 s28, $0x1;
	[dreg:$0x2] =	wrdreg s4  }
0xaf: {  	[dreg:$0x3] =	wrdreg s6  }
0xb0: {  	[dreg:$0x4] =	wrdreg $0xC0  }
0xb1: {  	_ =	task [dreg:s8], $0x5FFFF  }
0xb2: {  	[dreg:$0x1] =	wrdreg $0xFFFFFFFF  }
0xb3: {  	[dreg:$0x0] =	wrdreg $0x60  }
0xb4: {  	[dreg:$0x2] =	wrdreg s15  }
0xb5: {  	[dreg:$0x3] =	wrdreg s24  }
0xb6: {  	[dreg:$0x4] =	wrdreg s16  }
0xb7: {  	[dreg:$0x5] =	wrdreg $0x9  }
0xb8: {  	_ =	task.clear_ibuf [dreg:s8], $0x6FFFF;
	_ =	strace $0x90000046  }
0xb9: {  	s29 =	simm.s32 $0x9;
	_ =	strace $0x80000048  }
0xba: {  	_ =	swait.ge [sflag:s29], $0x1  }
0xbb: {  	[sflag:s29] =	ssyncadd.s32 $0xFFFFFFFF  }
0xbc: {  	_ =	strace $0x90000048  }
0xbd: {  	_ =	sfence  }
0xbe: {  	s30 =	sld [smem:$0x0];
	_ =	sdelay $0x2  }
0xbf: {  	s31 =	sshll.u32 s1, $0xD;
	s1 =	sshrl.u32 s1, $0x2  }
0xc0: {  	s3 =	sand.u32 $0x4000, s31;
	s1 =	sadd.s32 s1, s30  }
0xc1: {  	s0 =	sor.u32 s3, s0;
	s1 =	sshll.u32 s1, $0x11  }
0xc2: {  	s0 =	sor.u32 s1, s0  }
0xc3: {  	s0 =	sadd.s32 $0x8F2B, s0  }
0xc4: {  	[sflag:s0] =	ssyncadd.remote.s32 $0x1  }
0xc5: {  	_ =	sfence.sel $0xFFFF  }
0xc6: {  	[dreg:$0x0] =	wrdreg $0xFFFFFFFF;
	(pc) =	sbr.abs _section_cstart, $3  }
0xc7: {  	[dreg:$0x1] =	wrdreg $0xFFFFFFFF  }
0xc8: {  	_ =	task.clear_ibuf [dreg:s8], $0x2FFFF;
	_ =	strace $0x9FFFFFFF  }
0xc9: {  	(tm) =	ssettm $0x7FFFFFFF  }
tec
execute0_lowered:
.L_overlay_start_1:
0x0: {  	(tag) =	ssettag $0x1  }
0x1: {  	s1 =	rddreg [dreg:$0x0]  }
0x2: {  	s0 =	srdreg.scid;
	s2 =	rddreg [dreg:$0x1]  }
0x3: {  	s8 =	stileid.u32;
	s7 =	rddreg [dreg:$0x2]  }
0x4: {  	s12 =	simm.s32 $0xB;
	s13 =	simm.s32 $0x80;
	s14 =	simm.s32 $0x1C00  }
0x5: {  	s15 =	simm.s32 $0x5C00;
	s17 =	simm.s32 $0x9C00;
	s19 =	simm.s32 $0xDC00  }
0x6: {  	s21 =	simm.s32 $0x11C00;
	s22 =	simm.s32 $0x1;
	s23 =	simm.s32 $0x2  }
0x7: {  	s28 =	simm.s32 $0x6;
	s29 =	simm.s32 $0x7;
	s30 =	simm.s32 $0x8  }
0x8: {  	s0 =	sand.u32 $0x1, s0;
	s3 =	sshll.u32 s8, $0x1;
	s8 =	smul.u32 $0x32000, s8  }
0x9: {  	s4 =	sor.u32 s0, s3;
	s6 =	ssub.s32 $0x2, s0;
	s0 =	smul.u32 $0x19000, s0  }
0xa: {  	s31 =	simm.s32 $0x9;
	s3 =	simm.s32 $0x0;
	s5 =	smul.u32 $0x380, s4  }
0xb: {  	[smem:$0x7FF] =	sst s3;
	s4 =	smul.u32 $0xC8000, s4;
	s24 =	sshrl.u32 s6, $0x1  }
0xc: {  	s9 =	sadd.s32 s8, s7;
	_ =	strace $0x80000047;
	s10 =	ssub.s32 s6, s24  }
0xd: {  	s0 =	sadd.s32 s0, s9;
	s24 =	simm.s32 $0x3;
	s2 =	sadd.s32 s5, s2  }
0xe: {  	s25 =	sshrl.u32 s4, $0x3;
	s10 =	smax.u32 s10, $0x1;
	s11 =	sadd.s32 $0x2000, s0  }
0xf: {  	s0 =	simm.s32 $0x0;
	s2 =	sadd.s32 $0xC00, s2;
	s26 =	sadd.s32 s7, s25  }
0x10: {  	s25 =	simm.s32 $0x4;
	[dreg:$0x4] =	wrdreg s2;
	s5 =	sadd.s32 $0x16800, s26  }
0x11: {  	s6 =	sadd.s32 $0x17000, s26;
	s7 =	sadd.s32 $0x17800, s26;
	s8 =	sadd.s32 $0x18000, s26  }
0x12: {  	s9 =	sadd.s32 $0x18800, s26;
	s26 =	simm.s32 $0x5;
	s2 =	simm.s32 $0xA  }
.LBB2_1:
0x13: {  	s4 =	rddreg [dreg:$0x4]  }
0x14: {  	[tilespmem:s3], [sflag:$0xB] =	stream.linear.gather [hbm4b:s4+s3], $0x1900, $0x38;
	[tilespmem:$0x15C00] =	vst v63  }
0x15: {  	_ =	swait.ge [sflag:s12], $0x1900  }
0x16: {  	[sflag:s12] =	ssyncset.done $0x0  }
0x17: {  	[sflag:s12] =	ssyncadd.s32 $0xFFFFE700  }
0x18: {  	[tilespmem:s14], [sflag:$0x1] =	stream.indirect.gather [hbm4b:s1+s13], $0x80, s3, s13, $0xb8;
	[tilespmem:$0x15C00] =	vst v63  }
0x19: {  	_ = 	snop  }
0x1a: {  	[tilespmem:s15], [sflag:$0x2] =	stream.indirect.gather [hbm4b:s1+s13], $0x80, s13, s13, $0xb8;
	[tilespmem:$0x15C00] =	vst v63  }
0x1b: {  	s20 =	simm.s32 $0x100  }
0x1c: {  	[tilespmem:s17], [sflag:$0x3] =	stream.indirect.gather [hbm4b:s1+s13], $0x80, s20, s13, $0xb8;
	[tilespmem:$0x15C00] =	vst v63  }
0x1d: {  	s16 =	simm.s32 $0x180  }
0x1e: {  	[tilespmem:s19], [sflag:$0x4] =	stream.indirect.gather [hbm4b:s1+s13], $0x80, s16, s13, $0xb8;
	[tilespmem:$0x15C00] =	vst v63  }
0x1f: {  	s18 =	simm.s32 $0x200  }
0x20: {  	[tilespmem:s21], [sflag:$0x5] =	stream.indirect.gather [hbm4b:s1+s13], $0x80, s18, s13, $0xb8;
	[tilespmem:$0x15C00] =	vst v63  }
0x21: {  	_ =	swait.ge [sflag:s22], $0x4000  }
0x22: {  	[sflag:s22] =	ssyncset.done $0x0  }
0x23: {  	s16 =	sadd.s32 $0xFFFFE000, s11;
	[sflag:s22] =	ssyncadd.s32 $0xFFFFC000  }
0x24: {  	[hbm4b:s16+s3] =	stream.linear.scatter [tilespmem:s14], [sflag:$0x6], $0x4000, $0x38;
	[tilespmem:$0x15C00] =	vst v63  }
0x25: {  	_ =	swait.ge [sflag:s23], $0x4000  }
0x26: {  	[sflag:s23] =	ssyncset.done $0x0  }
0x27: {  	s20 =	sadd.s32 $0xFFFFE800, s11;
	[sflag:s23] =	ssyncadd.s32 $0xFFFFC000  }
0x28: {  	[hbm4b:s20+s3] =	stream.linear.scatter [tilespmem:s15], [sflag:$0x7], $0x4000, $0x38;
	[tilespmem:$0x15C00] =	vst v63  }
0x29: {  	_ =	swait.ge [sflag:s24], $0x4000  }
0x2a: {  	[sflag:s24] =	ssyncset.done $0x0  }
0x2b: {  	s4 =	sadd.s32 $0xFFFFF000, s11;
	[sflag:s24] =	ssyncadd.s32 $0xFFFFC000  }
0x2c: {  	[hbm4b:s4+s3] =	stream.linear.scatter [tilespmem:s17], [sflag:$0x8], $0x4000, $0x38;
	[tilespmem:$0x15C00] =	vst v63  }
0x2d: {  	_ =	swait.ge [sflag:s25], $0x4000  }
0x2e: {  	[sflag:s25] =	ssyncset.done $0x0  }
0x2f: {  	s18 =	sadd.s32 $0xFFFFF800, s11;
	[sflag:s25] =	ssyncadd.s32 $0xFFFFC000  }
0x30: {  	[hbm4b:s18+s3] =	stream.linear.scatter [tilespmem:s19], [sflag:$0x9], $0x4000, $0x38;
	[tilespmem:$0x15C00] =	vst v63  }
0x31: {  	_ =	swait.ge [sflag:s26], $0x4000  }
0x32: {  	[sflag:s26] =	ssyncset.done $0x0  }
0x33: {  	[sflag:s26] =	ssyncadd.s32 $0xFFFFC000  }
0x34: {  	[hbm4b:s11+s3] =	stream.linear.scatter [tilespmem:s21], [sflag:$0xA], $0x4000, $0x38;
	[tilespmem:$0x15C00] =	vst v63  }
0x35: {  	_ =	swait.ge [sflag:s28], $0x4000  }
0x36: {  	[sflag:s28] =	ssyncset.done $0x0  }
0x37: {  	s20 =	simm.s32 $0x280;
	[sflag:s28] =	ssyncadd.s32 $0xFFFFC000  }
0x38: {  	[tilespmem:s14], [sflag:$0x1] =	stream.indirect.gather [hbm4b:s1+s13], $0x80, s20, s13, $0xb8;
	[tilespmem:$0x15C00] =	vst v63  }
0x39: {  	_ =	swait.ge [sflag:s29], $0x4000  }
0x3a: {  	[sflag:s29] =	ssyncset.done $0x0  }
0x3b: {  	s4 =	simm.s32 $0x300;
	[sflag:s29] =	ssyncadd.s32 $0xFFFFC000  }
0x3c: {  	[tilespmem:s15], [sflag:$0x2] =	stream.indirect.gather [hbm4b:s1+s13], $0x80, s4, s13, $0xb8;
	[tilespmem:$0x15C00] =	vst v63  }
0x3d: {  	_ =	swait.ge [sflag:s30], $0x4000  }
0x3e: {  	[sflag:s30] =	ssyncset.done $0x0  }
0x3f: {  	s18 =	simm.s32 $0x380;
	[sflag:s30] =	ssyncadd.s32 $0xFFFFC000  }
0x40: {  	[tilespmem:s17], [sflag:$0x3] =	stream.indirect.gather [hbm4b:s1+s13], $0x80, s18, s13, $0xb8;
	[tilespmem:$0x15C00] =	vst v63  }
0x41: {  	_ =	swait.ge [sflag:s31], $0x4000  }
0x42: {  	[sflag:s31] =	ssyncset.done $0x0  }
0x43: {  	s20 =	simm.s32 $0x400;
	[sflag:s31] =	ssyncadd.s32 $0xFFFFC000  }
0x44: {  	[tilespmem:s19], [sflag:$0x4] =	stream.indirect.gather [hbm4b:s1+s13], $0x80, s20, s13, $0xb8;
	[tilespmem:$0x15C00] =	vst v63  }
0x45: {  	_ =	swait.ge [sflag:s2], $0x4000  }
0x46: {  	s16 =	simm.s32 $0xA00;
	[sflag:s2] =	ssyncset.done $0x0  }
0x47: {  	s18 =	sadd.s32 $0x2800, s11;
	s20 =	simm.s32 $0x480;
	[sflag:s2] =	ssyncadd.s32 $0xFFFFC000  }
.LBB2_2:
0x48: {  	[tilespmem:s21], [sflag:$0x5] =	stream.indirect.gather [hbm4b:s1+s13], $0x80, s20, s13, $0xb8;
	[tilespmem:$0x15C00] =	vst v63  }
0x49: {  	s20 =	smov.u32 s16  }
0x4a: {  	p0 =	sne.s32 s16, $0x5000;
	s16 =	sadd.s32 $0xA00, s16;
	_ =	swait.ge [sflag:s22], $0x4000  }
0x4b: {  	[sflag:s22] =	ssyncset.done $0x0  }
0x4c: {  	s4 =	sadd.s32 $0xFFFFE000, s18;
	[sflag:s22] =	ssyncadd.s32 $0xFFFFC000  }
0x4d: {  	[hbm4b:s4+s3] =	stream.linear.scatter [tilespmem:s14], [sflag:$0x6], $0x4000, $0x38;
	[tilespmem:$0x15C00] =	vst v63  }
0x4e: {  	_ =	swait.ge [sflag:s23], $0x4000  }
0x4f: {  	[sflag:s23] =	ssyncset.done $0x0  }
0x50: {  	s4 =	sadd.s32 $0xFFFFE800, s18;
	[sflag:s23] =	ssyncadd.s32 $0xFFFFC000  }
0x51: {  	[hbm4b:s4+s3] =	stream.linear.scatter [tilespmem:s15], [sflag:$0x7], $0x4000, $0x38;
	[tilespmem:$0x15C00] =	vst v63  }
0x52: {  	_ =	swait.ge [sflag:s24], $0x4000  }
0x53: {  	[sflag:s24] =	ssyncset.done $0x0  }
0x54: {  	s4 =	sadd.s32 $0xFFFFF000, s18;
	[sflag:s24] =	ssyncadd.s32 $0xFFFFC000  }
0x55: {  	[hbm4b:s4+s3] =	stream.linear.scatter [tilespmem:s17], [sflag:$0x8], $0x4000, $0x38;
	[tilespmem:$0x15C00] =	vst v63  }
0x56: {  	_ =	swait.ge [sflag:s25], $0x4000  }
0x57: {  	[sflag:s25] =	ssyncset.done $0x0  }
0x58: {  	s4 =	sadd.s32 $0xFFFFF800, s18;
	[sflag:s25] =	ssyncadd.s32 $0xFFFFC000  }
0x59: {  	[hbm4b:s4+s3] =	stream.linear.scatter [tilespmem:s19], [sflag:$0x9], $0x4000, $0x38;
	[tilespmem:$0x15C00] =	vst v63  }
0x5a: {  	_ =	swait.ge [sflag:s26], $0x4000  }
0x5b: {  	[sflag:s26] =	ssyncset.done $0x0  }
0x5c: {  	[sflag:s26] =	ssyncadd.s32 $0xFFFFC000  }
0x5d: {  	[hbm4b:s18+s3] =	stream.linear.scatter [tilespmem:s21], [sflag:$0xA], $0x4000, $0x38;
	[tilespmem:$0x15C00] =	vst v63  }
0x5e: {  	_ =	swait.ge [sflag:s28], $0x4000  }
0x5f: {  	s4 =	sshra.s32 s20, $0x2;
	[sflag:s28] =	ssyncset.done $0x0  }
0x60: {  	s20 =	sadd.s32 $0x280, s4;
	[sflag:s28] =	ssyncadd.s32 $0xFFFFC000  }
0x61: {  	[tilespmem:s14], [sflag:$0x1] =	stream.indirect.gather [hbm4b:s1+s13], $0x80, s20, s13, $0xb8;
	[tilespmem:$0x15C00] =	vst v63  }
0x62: {  	_ =	swait.ge [sflag:s29], $0x4000  }
0x63: {  	[sflag:s29] =	ssyncset.done $0x0  }
0x64: {  	s20 =	sadd.s32 $0x300, s4;
	[sflag:s29] =	ssyncadd.s32 $0xFFFFC000  }
0x65: {  	[tilespmem:s15], [sflag:$0x2] =	stream.indirect.gather [hbm4b:s1+s13], $0x80, s20, s13, $0xb8;
	[tilespmem:$0x15C00] =	vst v63  }
0x66: {  	_ =	swait.ge [sflag:s30], $0x4000  }
0x67: {  	[sflag:s30] =	ssyncset.done $0x0  }
0x68: {  	s20 =	sadd.s32 $0x380, s4;
	[sflag:s30] =	ssyncadd.s32 $0xFFFFC000  }
0x69: {  	[tilespmem:s17], [sflag:$0x3] =	stream.indirect.gather [hbm4b:s1+s13], $0x80, s20, s13, $0xb8;
	[tilespmem:$0x15C00] =	vst v63  }
0x6a: {  	_ =	swait.ge [sflag:s31], $0x4000  }
0x6b: {  	[sflag:s31] =	ssyncset.done $0x0  }
.Ltmp0:
0x6c: {  	s20 =	sadd.s32 $0x400, s4;
	[sflag:s31] =	ssyncadd.s32 $0xFFFFC000;
	(pc) =	sbr.rel @p0 .LBB2_2-.Ltmp0, $4  }
0x6d: {  	[tilespmem:s19], [sflag:$0x4] =	stream.indirect.gather [hbm4b:s1+s13], $0x80, s20, s13, $0xb8;
	[tilespmem:$0x15C00] =	vst v63  }
0x6e: {  	_ =	swait.ge [sflag:s2], $0x4000  }
0x6f: {  	[sflag:s2] =	ssyncset.done $0x0  }
0x70: {  	s18 =	sadd.s32 $0x2800, s18;
	s20 =	sadd.s32 $0x480, s4;
	[sflag:s2] =	ssyncadd.s32 $0xFFFFC000  }
0x71: {  	[tilespmem:s21], [sflag:$0x5] =	stream.indirect.gather [hbm4b:s1+s13], $0x80, s20, s13, $0xb8;
	[tilespmem:$0x15C00] =	vst v63  }
0x72: {  	_ =	swait.ge [sflag:s22], $0x4000  }
0x73: {  	[sflag:s22] =	ssyncset.done $0x0  }
0x74: {  	[sflag:s22] =	ssyncadd.s32 $0xFFFFC000  }
0x75: {  	[hbm4b:s5+s3] =	stream.linear.scatter [tilespmem:s14], [sflag:$0x6], $0x4000, $0x38;
	[tilespmem:$0x15C00] =	vst v63  }
0x76: {  	_ =	swait.ge [sflag:s23], $0x4000  }
0x77: {  	[sflag:s23] =	ssyncset.done $0x0  }
0x78: {  	[sflag:s23] =	ssyncadd.s32 $0xFFFFC000  }
0x79: {  	[hbm4b:s6+s3] =	stream.linear.scatter [tilespmem:s15], [sflag:$0x7], $0x4000, $0x38;
	[tilespmem:$0x15C00] =	vst v63  }
0x7a: {  	_ =	swait.ge [sflag:s24], $0x4000  }
0x7b: {  	[sflag:s24] =	ssyncset.done $0x0  }
0x7c: {  	[sflag:s24] =	ssyncadd.s32 $0xFFFFC000  }
0x7d: {  	[hbm4b:s7+s3] =	stream.linear.scatter [tilespmem:s17], [sflag:$0x8], $0x4000, $0x38;
	[tilespmem:$0x15C00] =	vst v63  }
0x7e: {  	_ =	swait.ge [sflag:s25], $0x4000  }
0x7f: {  	[sflag:s25] =	ssyncset.done $0x0  }
0x80: {  	[sflag:s25] =	ssyncadd.s32 $0xFFFFC000  }
0x81: {  	[hbm4b:s8+s3] =	stream.linear.scatter [tilespmem:s19], [sflag:$0x9], $0x4000, $0x38;
	[tilespmem:$0x15C00] =	vst v63  }
0x82: {  	_ =	swait.ge [sflag:s26], $0x4000  }
0x83: {  	[sflag:s26] =	ssyncset.done $0x0  }
0x84: {  	[sflag:s26] =	ssyncadd.s32 $0xFFFFC000  }
0x85: {  	[hbm4b:s9+s3] =	stream.linear.scatter [tilespmem:s21], [sflag:$0xA], $0x4000, $0x38;
	[tilespmem:$0x15C00] =	vst v63  }
0x86: {  	_ =	swait.ge [sflag:s28], $0x4000  }
0x87: {  	[sflag:s28] =	ssyncset.done $0x0  }
0x88: {  	[sflag:s28] =	ssyncadd.s32 $0xFFFFC000  }
0x89: {  	_ =	swait.ge [sflag:s29], $0x4000  }
0x8a: {  	[sflag:s29] =	ssyncset.done $0x0  }
0x8b: {  	[sflag:s29] =	ssyncadd.s32 $0xFFFFC000  }
0x8c: {  	_ =	swait.ge [sflag:s30], $0x4000  }
0x8d: {  	[sflag:s30] =	ssyncset.done $0x0  }
0x8e: {  	s0 =	sadd.s32 $0x1, s0;
	[sflag:s30] =	ssyncadd.s32 $0xFFFFC000  }
0x8f: {  	p0 =	sne.s32 s0, s10;
	_ =	swait.ge [sflag:s31], $0x4000  }
.Ltmp1:
0x90: {  	[sflag:s31] =	ssyncset.done $0x0;
	(pc) =	sbr.rel @p0 .LBB2_1-.Ltmp1, $4  }
0x91: {  	[sflag:s31] =	ssyncadd.s32 $0xFFFFC000  }
0x92: {  	_ =	swait.ge [sflag:s2], $0x4000  }
0x93: {  	[sflag:s2] =	ssyncset.done $0x0  }
0x94: {  	[sflag:s2] =	ssyncadd.s32 $0xFFFFC000  }
0x95: {  	_ =	sfence.sel $0x180000  }
0x96: {  	[bflag:$0x0] =	sbarrier.arrive $0xFFFF  }
0x97: {  	_ =	strace $0x90000047  }
0x98: {  	s0 =	stileid.u32;
	[bflag:$0x2] =	sbarrier.arrive $0xFFFF  }
0x99: {  	p0 =	sne.s32 s0, $0x0;
	s0 =	rddreg [dreg:$0x3]  }
0x9a: {  	s0 =	sadd.s32 @!p0 $0x100000, s0  }
0x9b: {  	[sflag:s0] =	ssyncadd.tile.s32 @!p0 $0x1;
	_ =	shalt  }
.Lfunc_end2:
_tile_overlayer_lowered:
.L_overlay_start_2:
0x9c: {  	(tag) =	ssettag $0x2  }
0x9d: {  	s0 =	rddreg [dreg:$0x0];
	s2 =	stileid.u32  }
0x9e: {  	s1 =	rddreg [dreg:$0x1];
	p0 =	sne.s32 s2, $0x0  }
0x9f: {  	s3 =	rddreg [dreg:$0x2];
	[bflag:$0x3] =	sbarrier.arrive $0xFFFF;
	s2 =	simm.s32 @!p0 $0x1C0B  }
0xa0: {  	[timem:s3], [sflag:s2] =	dma.local @!p0 [hbm:s0], s1  }
0xa1: {  	s0 =	simm.s32 @!p0 $0xB  }
0xa2: {  	_ =	swait.ge @!p0 [sflag:s0], s1  }
0xa3: {  	s1 =	ssub.s32 @!p0 $0x0, s1;
	[sflag:s0] =	ssyncset.done @!p0 $0x0  }
0xa4: {  	[sflag:s0] =	ssyncadd.s32 @!p0 s1  }
0xa5: {  	[bflag:$0x3] =	sbarrier.arrive $0xFFFF  }
0xa6: {  	_ =	shalt  }

</sc_bundles>
